<compile_context>
chip_gen: v7x
topology: tpu7x:2x2x1
jax: 0.10.2.dev20260603
libtpu: 0.0.44.dev20260713+nightly
codegen_flags: <defaults>
</compile_context>

<pallas_src>
import functools

import jax
import jax.numpy as jnp
from jax import lax
from jax.experimental import pallas as pl
from jax.experimental.pallas import tpu as pltpu
from jax.experimental.pallas import tpu_sc as plsc

_N_EMB = 8192
_DIM = 32
_N_TOK = 16384
_B = 4096
_KT = 4096
_COMMIT = 0.25

_NC = 2
_NS = 16
_NW = _NC * _NS
_BP = _N_TOK // _NW
_IC = 128
_NCH = _BP // _IC


_LW = 128


def _vq_tc_body(x_ref, xn_ref, emb2_ref, en_ref, idx_ref, minsum_ref):
    x = x_ref[...]
    xb = x.astype(jnp.bfloat16)
    xn = xn_ref[0, 0, :]
    lane = lax.broadcasted_iota(jnp.int32, (_B, _LW), 1).astype(jnp.float32)

    def tile(t, carry):
        run_min, run_idx = carry
        emb2_t = emb2_ref[pl.ds(t * _KT, _KT), :]
        en_t = en_ref[0, pl.ds(t * _KT, _KT)]
        dot2 = lax.dot_general(xb, emb2_t, (((1,), (1,)), ((), ())),
                               preferred_element_type=jnp.float32)
        d = (xn[:, None] + en_t[None, :]) - dot2
        rm = jnp.full((_B, _LW), jnp.inf, jnp.float32)
        rj = jnp.zeros((_B, _LW), jnp.float32)
        for j in range(_KT // _LW):
            c = d[:, j * _LW:(j + 1) * _LW]
            lt = c < rm
            rj = jnp.where(lt, jnp.float32(j), rj)
            rm = jnp.minimum(rm, c)
        m = jnp.min(rm, axis=1)
        idxf = rj * jnp.float32(_LW) + lane
        first_f = jnp.min(jnp.where(rm == m[:, None], idxf,
                                    jnp.float32(2 * _N_EMB)), axis=1)
        first = first_f.astype(jnp.int32)
        better = m < run_min
        run_idx = jnp.where(better, first + t * _KT, run_idx)
        run_min = jnp.where(better, m, run_min)
        run_min = run_min.astype(jnp.bfloat16).astype(jnp.float32)
        return run_min, run_idx

    init = (jnp.full((_B,), jnp.inf, jnp.float32), jnp.zeros((_B,), jnp.int32))
    run_min, run_idx = lax.fori_loop(0, _N_EMB // _KT, tile, init)
    idx_ref[0, 0, :] = run_idx

    @pl.when(pl.program_id(0) == 0)
    def _():
        minsum_ref[...] = jnp.zeros((1, 1), jnp.float32)

    minsum_ref[...] = minsum_ref[...] + jnp.sum(run_min)


def _vq_argmin_tc(flat_x, xn, embeddings2, en):
    grid = _N_TOK // _B
    idx3, minsum = pl.pallas_call(
        _vq_tc_body,
        grid=(grid,),
        in_specs=[
            pl.BlockSpec((_B, _DIM), lambda i: (i, 0)),
            pl.BlockSpec((1, 1, _B), lambda i: (i, 0, 0)),
            pl.BlockSpec((_N_EMB, _DIM), lambda i: (0, 0)),
            pl.BlockSpec((1, _N_EMB), lambda i: (0, 0)),
        ],
        out_specs=[
            pl.BlockSpec((1, 1, _B), lambda i: (i, 0, 0)),
            pl.BlockSpec((1, 1), lambda i: (0, 0)),
        ],
        out_shape=[
            jax.ShapeDtypeStruct((grid, 1, _B), jnp.int32),
            jax.ShapeDtypeStruct((1, 1), jnp.float32),
        ],
    )(flat_x, xn.reshape(grid, 1, _B), embeddings2, en.reshape(1, _N_EMB))
    return idx3.reshape(_N_TOK), minsum[0, 0]


def _gather_sc(embeddings, idx):
    mesh = plsc.VectorSubcoreMesh(core_axis_name="c", subcore_axis_name="s")

    @functools.partial(
        pl.kernel,
        mesh=mesh,
        out_type=jax.ShapeDtypeStruct((_N_TOK, _DIM), jnp.float32),
        scratch_types=[
            pltpu.VMEM((_NCH, _IC), jnp.int32),
            pltpu.VMEM((_BP, _DIM), jnp.float32),
            pltpu.SemaphoreType.DMA,
        ],
        compiler_params=pltpu.CompilerParams(use_tc_tiling_on_sc=False),
    )
    def k(table_hbm, idx_hbm, out_hbm, idx_v, rows_v, sem):
        wid = lax.axis_index("s") * _NC + lax.axis_index("c")
        base = wid * _BP
        pltpu.sync_copy(idx_hbm.at[wid], idx_v)
        for j in range(_NCH):
            pltpu.async_copy(
                table_hbm.at[idx_v.at[j]],
                rows_v.at[pl.ds(j * _IC, _IC)],
                sem,
            ).wait()
        pltpu.sync_copy(rows_v, out_hbm.at[pl.ds(base, _BP)])

    return k(embeddings, idx.reshape(_NW, _NCH, _IC))


def kernel(inputs, embeddings):
    input_shape = inputs.shape
    flat_x = inputs.reshape(-1, _DIM)
    xn = jnp.sum(flat_x ** 2, axis=1)
    en = jnp.sum(embeddings ** 2, axis=1)

    idx, minsum = _vq_argmin_tc(flat_x, xn, embeddings + embeddings, en)
    quantized = _gather_sc(embeddings, idx).reshape(input_shape)

    m = minsum / float(_N_TOK * _DIM)
    loss = m + _COMMIT * m
    quantized_ste = inputs + (quantized - inputs)
    return quantized_ste, loss

# --- scband reference (transcript-rebuilt; emitter-appended) ---
"""Pipeline reference for scband-vqlayer-55551107006707 (READ-ONLY COPY).

The authoritative reference and input builder live on the scoring server;
editing this copy changes nothing except your own understanding.
"""

import jax, jax.numpy as jnp
import numpy as np

NUM_EMBEDDINGS = 8192
EMBEDDING_DIM = 32
COMMITMENT_COST = 0.25


def setup_inputs(seed: int = 0) -> dict:
    key = jax.random.key(seed)
    k1, k2 = jax.random.split(key)
    inputs = jax.random.normal(k1, (16, 1024, EMBEDDING_DIM), dtype=jnp.float32)
    # keras 'uniform' initializer == RandomUniform(-0.05, 0.05)
    embeddings = jax.random.uniform(k2, (NUM_EMBEDDINGS, EMBEDDING_DIM), dtype=jnp.float32, minval=-0.05, maxval=0.05)
    return {"inputs": inputs, "embeddings": embeddings}


def reference(inputs, embeddings):
    input_shape = inputs.shape
    flat_input = inputs.reshape(-1, EMBEDDING_DIM)
    # L2 distances: ||x||^2 + ||e||^2 - 2 x.e
    distances = (
        jnp.sum(flat_input ** 2, axis=1, keepdims=True)
        + jnp.sum(embeddings ** 2, axis=1)
        - 2.0 * jnp.matmul(flat_input, embeddings.T)
    )
    encoding_indices = jnp.argmin(distances, axis=1)
    # one_hot @ embeddings is equivalent to a row gather from the codebook
    quantized = jnp.take(embeddings, encoding_indices, axis=0)
    quantized = quantized.reshape(input_shape)
    e_latent_loss = jnp.mean((jax.lax.stop_gradient(inputs) - quantized) ** 2)
    q_latent_loss = jnp.mean((inputs - jax.lax.stop_gradient(quantized)) ** 2)
    loss = q_latent_loss + COMMITMENT_COST * e_latent_loss
    # Straight-through estimator
    quantized_ste = inputs + jax.lax.stop_gradient(quantized - inputs)
    return quantized_ste, loss

if __name__ == "__main__":
    import jax
    _d = setup_inputs()
    print(jax.jit(kernel)(*tuple(_d.values())))

</pallas_src>

<mosaic_0001>
#map = affine_map<(d0, d1) -> (0, 0)>
#map1 = affine_map<(d0, d1) -> (0, 0, 0)>
module attributes {stable_mosaic.version = 14 : i64} {
  func.func @k(%arg0: i32, %arg1: i32, %arg2: memref<8192x32xf32, #tpu.memory_space<hbm>>, %arg3: memref<32x4x128xi32, #tpu.memory_space<hbm>>, %arg4: memref<16384x32xf32, #tpu.memory_space<hbm>>, %arg5: memref<4x128xi32, #tpu.memory_space<vmem>>, %arg6: memref<512x32xf32, #tpu.memory_space<vmem>>, %arg7: memref<!tpu.dma_semaphore, #tpu.memory_space<semaphore_mem>>) attributes {dimension_semantics = [#tpu.dimension_semantics<core_parallel>, #tpu.dimension_semantics<subcore_parallel>], iteration_bounds = array<i64: 2, 16>, scalar_prefetch = 0 : i64, scratch_operands = 3 : i64, tpu.core_type = #tpu.core_type<sc_vector_subcore>, window_params = [{transform_indices = #map}, {transform_indices = #map1}, {transform_indices = #map}]} {
    %mul3A = arith.constant 2 : i32
    %mul3A_0 = arith.muli %arg1, %mul3A : i32
    %add3A = arith.addi %mul3A_0, %arg0 : i32
    %mul3A_1 = arith.constant 512 : i32
    %mul3A_2 = arith.muli %add3A, %mul3A_1 : i32
    "tpu.region"() ({
      %run_scoped3A = tpu.sem_alloc : memref<!tpu.dma_semaphore, #tpu.memory_space<semaphore_mem>>
      %dma_start3A_81 = arith.constant 0 : i32
      %dma_start3A_82 = arith.constant 0 : i32
      %dma_start3A_83 = tpu.memref_slice %arg3[%add3A, %dma_start3A_81, %dma_start3A_82] : memref<32x4x128xi32, #tpu.memory_space<hbm>> -> memref<1x4x128xi32, #tpu.memory_space<hbm>>
      %dma_start3A_84 = tpu.memref_squeeze %dma_start3A_83 : memref<1x4x128xi32, #tpu.memory_space<hbm>> -> memref<4x128xi32, #tpu.memory_space<hbm>>
      %dma_start3A_85 = arith.constant 0 : i32
      %dma_start3A_86 = arith.constant 0 : i32
      %dma_start3A_87 = tpu.memref_slice %arg3[%add3A, %dma_start3A_85, %dma_start3A_86] : memref<32x4x128xi32, #tpu.memory_space<hbm>> -> memref<1x4x128xi32, #tpu.memory_space<hbm>>
      %dma_start3A_88 = tpu.memref_squeeze %dma_start3A_87 : memref<1x4x128xi32, #tpu.memory_space<hbm>> -> memref<4x128xi32, #tpu.memory_space<hbm>>
      tpu.enqueue_dma source(%dma_start3A_88 : memref<4x128xi32, #tpu.memory_space<hbm>>) target(%arg5 : memref<4x128xi32, #tpu.memory_space<vmem>>) target_semaphore(%run_scoped3A : memref<!tpu.dma_semaphore, #tpu.memory_space<semaphore_mem>>)
      %dma_wait3A_89 = arith.constant 0 : i32
      %dma_wait3A_90 = arith.constant 0 : i32
      %dma_wait3A_91 = tpu.memref_slice %arg3[%add3A, %dma_wait3A_89, %dma_wait3A_90] : memref<32x4x128xi32, #tpu.memory_space<hbm>> -> memref<1x4x128xi32, #tpu.memory_space<hbm>>
      %dma_wait3A_92 = tpu.memref_squeeze %dma_wait3A_91 : memref<1x4x128xi32, #tpu.memory_space<hbm>> -> memref<4x128xi32, #tpu.memory_space<hbm>>
      %dma_wait3A_93 = arith.constant 0 : i32
      %dma_wait3A_94 = arith.constant 0 : i32
      %dma_wait3A_95 = tpu.memref_slice %arg3[%add3A, %dma_wait3A_93, %dma_wait3A_94] : memref<32x4x128xi32, #tpu.memory_space<hbm>> -> memref<1x4x128xi32, #tpu.memory_space<hbm>>
      %dma_wait3A_96 = tpu.memref_squeeze %dma_wait3A_95 : memref<1x4x128xi32, #tpu.memory_space<hbm>> -> memref<4x128xi32, #tpu.memory_space<hbm>>
      tpu.wait_dma2 semaphore(%run_scoped3A : memref<!tpu.dma_semaphore, #tpu.memory_space<semaphore_mem>>) src(%dma_wait3A_96 : memref<4x128xi32, #tpu.memory_space<hbm>>) dst(%arg5 : memref<4x128xi32, #tpu.memory_space<vmem>>)
      tpu.yield
    }) : () -> ()
    %dma_start3A = arith.constant 0 : i32
    %dma_start3A_3 = arith.constant 0 : i32
    %dma_start3A_4 = arith.constant 0 : i32
    %dma_start3A_5 = tpu.memref_slice %arg6[%dma_start3A_3, %dma_start3A_4] : memref<512x32xf32, #tpu.memory_space<vmem>> -> memref<128x32xf32, #tpu.memory_space<vmem>>
    %dma_start3A_6 = arith.constant 0 : i32
    %dma_start3A_7 = tpu.memref_slice %arg5[%dma_start3A, %dma_start3A_6] : memref<4x128xi32, #tpu.memory_space<vmem>> -> memref<1x128xi32, #tpu.memory_space<vmem>>
    %dma_start3A_8 = tpu.memref_squeeze %dma_start3A_7 : memref<1x128xi32, #tpu.memory_space<vmem>> -> memref<128xi32, #tpu.memory_space<vmem>>
    %dma_start3A_9 = arith.constant 0 : i32
    %dma_start3A_10 = arith.constant 0 : i32
    %dma_start3A_11 = tpu.memref_slice %arg2[%dma_start3A_9, %dma_start3A_10] : memref<8192x32xf32, #tpu.memory_space<hbm>> -> memref<8192x32xf32, #tpu.memory_space<hbm>>
    tpu.enqueue_indirect_dma source(%dma_start3A_11 : memref<8192x32xf32, #tpu.memory_space<hbm>>) target(%dma_start3A_5 : memref<128x32xf32, #tpu.memory_space<vmem>>) offsets(%dma_start3A_8 : memref<128xi32, #tpu.memory_space<vmem>>) semaphore(%arg7 : memref<!tpu.dma_semaphore, #tpu.memory_space<semaphore_mem>>)
    %dma_wait3A = arith.constant 0 : i32
    %dma_wait3A_12 = arith.constant 0 : i32
    %dma_wait3A_13 = arith.constant 0 : i32
    %dma_wait3A_14 = tpu.memref_slice %arg6[%dma_wait3A_12, %dma_wait3A_13] : memref<512x32xf32, #tpu.memory_space<vmem>> -> memref<128x32xf32, #tpu.memory_space<vmem>>
    %dma_wait3A_15 = arith.constant 0 : i32
    %dma_wait3A_16 = tpu.memref_slice %arg5[%dma_wait3A, %dma_wait3A_15] : memref<4x128xi32, #tpu.memory_space<vmem>> -> memref<1x128xi32, #tpu.memory_space<vmem>>
    %dma_wait3A_17 = tpu.memref_squeeze %dma_wait3A_16 : memref<1x128xi32, #tpu.memory_space<vmem>> -> memref<128xi32, #tpu.memory_space<vmem>>
    %dma_wait3A_18 = arith.constant 0 : i32
    %dma_wait3A_19 = arith.constant 0 : i32
    %dma_wait3A_20 = tpu.memref_slice %arg2[%dma_wait3A_18, %dma_wait3A_19] : memref<8192x32xf32, #tpu.memory_space<hbm>> -> memref<8192x32xf32, #tpu.memory_space<hbm>>
    tpu.wait_indirect_dma semaphore(%arg7 : memref<!tpu.dma_semaphore, #tpu.memory_space<semaphore_mem>>) src(%dma_wait3A_20 : memref<8192x32xf32, #tpu.memory_space<hbm>>) dst(%dma_wait3A_14 : memref<128x32xf32, #tpu.memory_space<vmem>>)
    %dma_start3A_21 = arith.constant 1 : i32
    %dma_start3A_22 = arith.constant 128 : i32
    %dma_start3A_23 = arith.constant 0 : i32
    %dma_start3A_24 = tpu.memref_slice %arg6[%dma_start3A_22, %dma_start3A_23] : memref<512x32xf32, #tpu.memory_space<vmem>> -> memref<128x32xf32, #tpu.memory_space<vmem>>
    %dma_start3A_25 = arith.constant 0 : i32
    %dma_start3A_26 = tpu.memref_slice %arg5[%dma_start3A_21, %dma_start3A_25] : memref<4x128xi32, #tpu.memory_space<vmem>> -> memref<1x128xi32, #tpu.memory_space<vmem>>
    %dma_start3A_27 = tpu.memref_squeeze %dma_start3A_26 : memref<1x128xi32, #tpu.memory_space<vmem>> -> memref<128xi32, #tpu.memory_space<vmem>>
    %dma_start3A_28 = arith.constant 0 : i32
    %dma_start3A_29 = arith.constant 0 : i32
    %dma_start3A_30 = tpu.memref_slice %arg2[%dma_start3A_28, %dma_start3A_29] : memref<8192x32xf32, #tpu.memory_space<hbm>> -> memref<8192x32xf32, #tpu.memory_space<hbm>>
    tpu.enqueue_indirect_dma source(%dma_start3A_30 : memref<8192x32xf32, #tpu.memory_space<hbm>>) target(%dma_start3A_24 : memref<128x32xf32, #tpu.memory_space<vmem>>) offsets(%dma_start3A_27 : memref<128xi32, #tpu.memory_space<vmem>>) semaphore(%arg7 : memref<!tpu.dma_semaphore, #tpu.memory_space<semaphore_mem>>)
    %dma_wait3A_31 = arith.constant 1 : i32
    %dma_wait3A_32 = arith.constant 128 : i32
    %dma_wait3A_33 = arith.constant 0 : i32
    %dma_wait3A_34 = tpu.memref_slice %arg6[%dma_wait3A_32, %dma_wait3A_33] : memref<512x32xf32, #tpu.memory_space<vmem>> -> memref<128x32xf32, #tpu.memory_space<vmem>>
    %dma_wait3A_35 = arith.constant 0 : i32
    %dma_wait3A_36 = tpu.memref_slice %arg5[%dma_wait3A_31, %dma_wait3A_35] : memref<4x128xi32, #tpu.memory_space<vmem>> -> memref<1x128xi32, #tpu.memory_space<vmem>>
    %dma_wait3A_37 = tpu.memref_squeeze %dma_wait3A_36 : memref<1x128xi32, #tpu.memory_space<vmem>> -> memref<128xi32, #tpu.memory_space<vmem>>
    %dma_wait3A_38 = arith.constant 0 : i32
    %dma_wait3A_39 = arith.constant 0 : i32
    %dma_wait3A_40 = tpu.memref_slice %arg2[%dma_wait3A_38, %dma_wait3A_39] : memref<8192x32xf32, #tpu.memory_space<hbm>> -> memref<8192x32xf32, #tpu.memory_space<hbm>>
    tpu.wait_indirect_dma semaphore(%arg7 : memref<!tpu.dma_semaphore, #tpu.memory_space<semaphore_mem>>) src(%dma_wait3A_40 : memref<8192x32xf32, #tpu.memory_space<hbm>>) dst(%dma_wait3A_34 : memref<128x32xf32, #tpu.memory_space<vmem>>)
    %dma_start3A_41 = arith.constant 2 : i32
    %dma_start3A_42 = arith.constant 256 : i32
    %dma_start3A_43 = arith.constant 0 : i32
    %dma_start3A_44 = tpu.memref_slice %arg6[%dma_start3A_42, %dma_start3A_43] : memref<512x32xf32, #tpu.memory_space<vmem>> -> memref<128x32xf32, #tpu.memory_space<vmem>>
    %dma_start3A_45 = arith.constant 0 : i32
    %dma_start3A_46 = tpu.memref_slice %arg5[%dma_start3A_41, %dma_start3A_45] : memref<4x128xi32, #tpu.memory_space<vmem>> -> memref<1x128xi32, #tpu.memory_space<vmem>>
    %dma_start3A_47 = tpu.memref_squeeze %dma_start3A_46 : memref<1x128xi32, #tpu.memory_space<vmem>> -> memref<128xi32, #tpu.memory_space<vmem>>
    %dma_start3A_48 = arith.constant 0 : i32
    %dma_start3A_49 = arith.constant 0 : i32
    %dma_start3A_50 = tpu.memref_slice %arg2[%dma_start3A_48, %dma_start3A_49] : memref<8192x32xf32, #tpu.memory_space<hbm>> -> memref<8192x32xf32, #tpu.memory_space<hbm>>
    tpu.enqueue_indirect_dma source(%dma_start3A_50 : memref<8192x32xf32, #tpu.memory_space<hbm>>) target(%dma_start3A_44 : memref<128x32xf32, #tpu.memory_space<vmem>>) offsets(%dma_start3A_47 : memref<128xi32, #tpu.memory_space<vmem>>) semaphore(%arg7 : memref<!tpu.dma_semaphore, #tpu.memory_space<semaphore_mem>>)
    %dma_wait3A_51 = arith.constant 2 : i32
    %dma_wait3A_52 = arith.constant 256 : i32
    %dma_wait3A_53 = arith.constant 0 : i32
    %dma_wait3A_54 = tpu.memref_slice %arg6[%dma_wait3A_52, %dma_wait3A_53] : memref<512x32xf32, #tpu.memory_space<vmem>> -> memref<128x32xf32, #tpu.memory_space<vmem>>
    %dma_wait3A_55 = arith.constant 0 : i32
    %dma_wait3A_56 = tpu.memref_slice %arg5[%dma_wait3A_51, %dma_wait3A_55] : memref<4x128xi32, #tpu.memory_space<vmem>> -> memref<1x128xi32, #tpu.memory_space<vmem>>
    %dma_wait3A_57 = tpu.memref_squeeze %dma_wait3A_56 : memref<1x128xi32, #tpu.memory_space<vmem>> -> memref<128xi32, #tpu.memory_space<vmem>>
    %dma_wait3A_58 = arith.constant 0 : i32
    %dma_wait3A_59 = arith.constant 0 : i32
    %dma_wait3A_60 = tpu.memref_slice %arg2[%dma_wait3A_58, %dma_wait3A_59] : memref<8192x32xf32, #tpu.memory_space<hbm>> -> memref<8192x32xf32, #tpu.memory_space<hbm>>
    tpu.wait_indirect_dma semaphore(%arg7 : memref<!tpu.dma_semaphore, #tpu.memory_space<semaphore_mem>>) src(%dma_wait3A_60 : memref<8192x32xf32, #tpu.memory_space<hbm>>) dst(%dma_wait3A_54 : memref<128x32xf32, #tpu.memory_space<vmem>>)
    %dma_start3A_61 = arith.constant 3 : i32
    %dma_start3A_62 = arith.constant 384 : i32
    %dma_start3A_63 = arith.constant 0 : i32
    %dma_start3A_64 = tpu.memref_slice %arg6[%dma_start3A_62, %dma_start3A_63] : memref<512x32xf32, #tpu.memory_space<vmem>> -> memref<128x32xf32, #tpu.memory_space<vmem>>
    %dma_start3A_65 = arith.constant 0 : i32
    %dma_start3A_66 = tpu.memref_slice %arg5[%dma_start3A_61, %dma_start3A_65] : memref<4x128xi32, #tpu.memory_space<vmem>> -> memref<1x128xi32, #tpu.memory_space<vmem>>
    %dma_start3A_67 = tpu.memref_squeeze %dma_start3A_66 : memref<1x128xi32, #tpu.memory_space<vmem>> -> memref<128xi32, #tpu.memory_space<vmem>>
    %dma_start3A_68 = arith.constant 0 : i32
    %dma_start3A_69 = arith.constant 0 : i32
    %dma_start3A_70 = tpu.memref_slice %arg2[%dma_start3A_68, %dma_start3A_69] : memref<8192x32xf32, #tpu.memory_space<hbm>> -> memref<8192x32xf32, #tpu.memory_space<hbm>>
    tpu.enqueue_indirect_dma source(%dma_start3A_70 : memref<8192x32xf32, #tpu.memory_space<hbm>>) target(%dma_start3A_64 : memref<128x32xf32, #tpu.memory_space<vmem>>) offsets(%dma_start3A_67 : memref<128xi32, #tpu.memory_space<vmem>>) semaphore(%arg7 : memref<!tpu.dma_semaphore, #tpu.memory_space<semaphore_mem>>)
    %dma_wait3A_71 = arith.constant 3 : i32
    %dma_wait3A_72 = arith.constant 384 : i32
    %dma_wait3A_73 = arith.constant 0 : i32
    %dma_wait3A_74 = tpu.memref_slice %arg6[%dma_wait3A_72, %dma_wait3A_73] : memref<512x32xf32, #tpu.memory_space<vmem>> -> memref<128x32xf32, #tpu.memory_space<vmem>>
    %dma_wait3A_75 = arith.constant 0 : i32
    %dma_wait3A_76 = tpu.memref_slice %arg5[%dma_wait3A_71, %dma_wait3A_75] : memref<4x128xi32, #tpu.memory_space<vmem>> -> memref<1x128xi32, #tpu.memory_space<vmem>>
    %dma_wait3A_77 = tpu.memref_squeeze %dma_wait3A_76 : memref<1x128xi32, #tpu.memory_space<vmem>> -> memref<128xi32, #tpu.memory_space<vmem>>
    %dma_wait3A_78 = arith.constant 0 : i32
    %dma_wait3A_79 = arith.constant 0 : i32
    %dma_wait3A_80 = tpu.memref_slice %arg2[%dma_wait3A_78, %dma_wait3A_79] : memref<8192x32xf32, #tpu.memory_space<hbm>> -> memref<8192x32xf32, #tpu.memory_space<hbm>>
    tpu.wait_indirect_dma semaphore(%arg7 : memref<!tpu.dma_semaphore, #tpu.memory_space<semaphore_mem>>) src(%dma_wait3A_80 : memref<8192x32xf32, #tpu.memory_space<hbm>>) dst(%dma_wait3A_74 : memref<128x32xf32, #tpu.memory_space<vmem>>)
    "tpu.region"() ({
      %run_scoped3A = tpu.sem_alloc : memref<!tpu.dma_semaphore, #tpu.memory_space<semaphore_mem>>
      %dma_start3A_81 = arith.constant 0 : i32
      %dma_start3A_82 = tpu.memref_slice %arg4[%mul3A_2, %dma_start3A_81] : memref<16384x32xf32, #tpu.memory_space<hbm>> -> memref<512x32xf32, #tpu.memory_space<hbm>>
      %dma_start3A_83 = arith.constant 0 : i32
      %dma_start3A_84 = tpu.memref_slice %arg4[%mul3A_2, %dma_start3A_83] : memref<16384x32xf32, #tpu.memory_space<hbm>> -> memref<512x32xf32, #tpu.memory_space<hbm>>
      tpu.enqueue_dma source(%arg6 : memref<512x32xf32, #tpu.memory_space<vmem>>) target(%dma_start3A_84 : memref<512x32xf32, #tpu.memory_space<hbm>>) target_semaphore(%run_scoped3A : memref<!tpu.dma_semaphore, #tpu.memory_space<semaphore_mem>>)
      %dma_wait3A_85 = arith.constant 0 : i32
      %dma_wait3A_86 = tpu.memref_slice %arg4[%mul3A_2, %dma_wait3A_85] : memref<16384x32xf32, #tpu.memory_space<hbm>> -> memref<512x32xf32, #tpu.memory_space<hbm>>
      %dma_wait3A_87 = arith.constant 0 : i32
      %dma_wait3A_88 = tpu.memref_slice %arg4[%mul3A_2, %dma_wait3A_87] : memref<16384x32xf32, #tpu.memory_space<hbm>> -> memref<512x32xf32, #tpu.memory_space<hbm>>
      tpu.wait_dma2 semaphore(%run_scoped3A : memref<!tpu.dma_semaphore, #tpu.memory_space<semaphore_mem>>) src(%arg6 : memref<512x32xf32, #tpu.memory_space<vmem>>) dst(%dma_wait3A_88 : memref<512x32xf32, #tpu.memory_space<hbm>>)
      tpu.yield
    }) : () -> ()
    return
  }
}

module attributes {stable_mosaic.version = 14 : i64} {
  func.func @_vq_tc_body(%arg0: i32, %arg1: memref<4096x32xf32, #tpu.memory_space<vmem>>, %arg2: memref<1x1x4096xf32, #tpu.memory_space<vmem>>, %arg3: memref<8192x32xf32, #tpu.memory_space<vmem>>, %arg4: memref<1x8192xf32, #tpu.memory_space<vmem>>, %arg5: memref<1x1x4096xi32, #tpu.memory_space<vmem>>, %arg6: memref<1x1xf32, #tpu.memory_space<vmem>>) attributes {dimension_semantics = [#tpu.dimension_semantics<arbitrary>], iteration_bounds = array<i64: 4>, scalar_prefetch = 0 : i64, scratch_operands = 0 : i64, tpu.core_type = #tpu.core_type<tc>, window_params = [{transform_indices = @transform_0, window_bounds = array<i64: 4096, 32>}, {transform_indices = @transform_1, window_bounds = array<i64: 1, 1, 4096>}, {pipeline_mode = #tpu.pipeline_mode<synchronous>, transform_indices = @transform_2, window_bounds = array<i64: 8192, 32>}, {pipeline_mode = #tpu.pipeline_mode<synchronous>, transform_indices = @transform_3, window_bounds = array<i64: 1, 8192>}, {transform_indices = @transform_4, window_bounds = array<i64: 1, 1, 4096>}, {pipeline_mode = #tpu.pipeline_mode<synchronous>, transform_indices = @transform_5, window_bounds = array<i64: 1, 1>}]} {
    %get3A = arith.constant 0 : index
    %get3A_0 = arith.constant 0 : index
    %get3A_1 = vector.load %arg1[%get3A, %get3A_0] : memref<4096x32xf32, #tpu.memory_space<vmem>>, vector<4096x32xf32>
    %convert_element_type3A = arith.truncf %get3A_1 : vector<4096x32xf32> to vector<4096x32xbf16>
    %get3A_2 = arith.constant 0 : index
    %get3A_3 = arith.constant 0 : index
    %get3A_4 = arith.constant 0 : index
    %get3A_5 = vector.load %arg2[%get3A_2, %get3A_3, %get3A_4] : memref<1x1x4096xf32, #tpu.memory_space<vmem>>, vector<1x1x4096xf32>
    %get3A_6 = vector.shape_cast %get3A_5 : vector<1x1x4096xf32> to vector<4096xf32>
    %iota3A = tpu.iota {dimensions = array<i32: 1>} : vector<4096x128xi32>
    %convert_element_type3A_7 = arith.sitofp %iota3A : vector<4096x128xi32> to vector<4096x128xf32>
    %broadcast_in_dim3A = arith.constant 0x7F800000 : f32
    %broadcast_in_dim3A_8 = vector.broadcast %broadcast_in_dim3A : f32 to vector<4096xf32>
    %broadcast_in_dim3A_9 = arith.constant 0 : i32
    %broadcast_in_dim3A_10 = vector.broadcast %broadcast_in_dim3A_9 : i32 to vector<4096xi32>
    %scan3A = arith.constant 0 : i32
    %scan3A_11 = arith.constant 2 : i32
    %scan3A_12 = arith.addi %scan3A, %scan3A_11 : i32
    %scan3A_13 = arith.constant 1 : i32
    %scan3A_14:2 = scf.for %scan3A_35 = %scan3A to %scan3A_12 step %scan3A_13 iter_args(%scan3A_36 = %broadcast_in_dim3A_8, %scan3A_37 = %broadcast_in_dim3A_10) -> (vector<4096xf32>, vector<4096xi32>)  : i32 {
      %mul3A = arith.constant 4096 : i32
      %mul3A_38 = arith.muli %scan3A_35, %mul3A : i32
      %get3A_39 = arith.index_cast %mul3A_38 : i32 to index
      %get3A_40 = arith.constant 0 : index
      %get3A_41 = vector.load %arg3[%get3A_39, %get3A_40] : memref<8192x32xf32, #tpu.memory_space<vmem>>, vector<4096x32xf32>
      %mul3A_42 = arith.constant 4096 : i32
      %mul3A_43 = arith.muli %scan3A_35, %mul3A_42 : i32
      %get3A_44 = arith.constant 0 : index
      %get3A_45 = arith.index_cast %mul3A_43 : i32 to index
      %get3A_46 = vector.load %arg4[%get3A_44, %get3A_45] : memref<1x8192xf32, #tpu.memory_space<vmem>>, vector<1x4096xf32>
      %get3A_47 = vector.shape_cast %get3A_46 : vector<1x4096xf32> to vector<4096xf32>
      %dot_general3A = arith.constant dense<0.000000e+00> : vector<4096x4096xf32>
      %dot_general3A_48 = tpu.matmul %convert_element_type3A, %get3A_41, %dot_general3A {dimension_numbers = #tpu.dot_dimension_numbers<[1], [1], [0], [0], [0, 0, 1, 0], [], []>, transpose_lhs_hint = false} : vector<4096x32xbf16>, vector<4096x32xf32>, vector<4096x4096xf32> -> vector<4096x4096xf32>
      %broadcast_in_dim3A_49 = vector.shape_cast %get3A_6 : vector<4096xf32> to vector<4096x1xf32>
      %broadcast_in_dim3A_50 = vector.shape_cast %get3A_47 : vector<4096xf32> to vector<1x4096xf32>
      %add3A_51 = vector.broadcast %broadcast_in_dim3A_49 : vector<4096x1xf32> to vector<4096x4096xf32>
      %add3A_52 = vector.broadcast %broadcast_in_dim3A_50 : vector<1x4096xf32> to vector<4096x4096xf32>
      %add3A_53 = arith.addf %add3A_51, %add3A_52 : vector<4096x4096xf32>
      %sub3A = arith.subf %add3A_53, %dot_general3A_48 : vector<4096x4096xf32>
      %broadcast_in_dim3A_54 = arith.constant 0x7F800000 : f32
      %broadcast_in_dim3A_55 = vector.broadcast %broadcast_in_dim3A_54 : f32 to vector<4096x128xf32>
      %broadcast_in_dim3A_56 = arith.constant 0.000000e+00 : f32
      %broadcast_in_dim3A_57 = vector.broadcast %broadcast_in_dim3A_56 : f32 to vector<4096x128xf32>
      %slice3A = vector.extract_strided_slice %sub3A {offsets = [0, 0], sizes = [4096, 128], strides = [1, 1]} : vector<4096x4096xf32> to vector<4096x128xf32>
      %lt3A = arith.cmpf olt, %slice3A, %broadcast_in_dim3A_55 : vector<4096x128xf32>
      %jit3A = arith.constant 0.000000e+00 : f32
      %broadcast_in_dim3A_58 = vector.broadcast %jit3A : f32 to vector<4096x128xf32>
      %select_n3A = arith.select %lt3A, %broadcast_in_dim3A_58, %broadcast_in_dim3A_57 : vector<4096x128xi1>, vector<4096x128xf32>
      %min3A = arith.minimumf %broadcast_in_dim3A_55, %slice3A : vector<4096x128xf32>
      %slice3A_59 = vector.extract_strided_slice %sub3A {offsets = [0, 128], sizes = [4096, 128], strides = [1, 1]} : vector<4096x4096xf32> to vector<4096x128xf32>
      %lt3A_60 = arith.cmpf olt, %slice3A_59, %min3A : vector<4096x128xf32>
      %jit3A_61 = arith.constant 1.000000e+00 : f32
      %broadcast_in_dim3A_62 = vector.broadcast %jit3A_61 : f32 to vector<4096x128xf32>
      %select_n3A_63 = arith.select %lt3A_60, %broadcast_in_dim3A_62, %select_n3A : vector<4096x128xi1>, vector<4096x128xf32>
      %min3A_64 = arith.minimumf %min3A, %slice3A_59 : vector<4096x128xf32>
      %slice3A_65 = vector.extract_strided_slice %sub3A {offsets = [0, 256], sizes = [4096, 128], strides = [1, 1]} : vector<4096x4096xf32> to vector<4096x128xf32>
      %lt3A_66 = arith.cmpf olt, %slice3A_65, %min3A_64 : vector<4096x128xf32>
      %jit3A_67 = arith.constant 2.000000e+00 : f32
      %broadcast_in_dim3A_68 = vector.broadcast %jit3A_67 : f32 to vector<4096x128xf32>
      %select_n3A_69 = arith.select %lt3A_66, %broadcast_in_dim3A_68, %select_n3A_63 : vector<4096x128xi1>, vector<4096x128xf32>
      %min3A_70 = arith.minimumf %min3A_64, %slice3A_65 : vector<4096x128xf32>
      %slice3A_71 = vector.extract_strided_slice %sub3A {offsets = [0, 384], sizes = [4096, 128], strides = [1, 1]} : vector<4096x4096xf32> to vector<4096x128xf32>
      %lt3A_72 = arith.cmpf olt, %slice3A_71, %min3A_70 : vector<4096x128xf32>
      %jit3A_73 = arith.constant 3.000000e+00 : f32
      %broadcast_in_dim3A_74 = vector.broadcast %jit3A_73 : f32 to vector<4096x128xf32>
      %select_n3A_75 = arith.select %lt3A_72, %broadcast_in_dim3A_74, %select_n3A_69 : vector<4096x128xi1>, vector<4096x128xf32>
      %min3A_76 = arith.minimumf %min3A_70, %slice3A_71 : vector<4096x128xf32>
      %slice3A_77 = vector.extract_strided_slice %sub3A {offsets = [0, 512], sizes = [4096, 128], strides = [1, 1]} : vector<4096x4096xf32> to vector<4096x128xf32>
      %lt3A_78 = arith.cmpf olt, %slice3A_77, %min3A_76 : vector<4096x128xf32>
      %jit3A_79 = arith.constant 4.000000e+00 : f32
      %broadcast_in_dim3A_80 = vector.broadcast %jit3A_79 : f32 to vector<4096x128xf32>
      %select_n3A_81 = arith.select %lt3A_78, %broadcast_in_dim3A_80, %select_n3A_75 : vector<4096x128xi1>, vector<4096x128xf32>
      %min3A_82 = arith.minimumf %min3A_76, %slice3A_77 : vector<4096x128xf32>
      %slice3A_83 = vector.extract_strided_slice %sub3A {offsets = [0, 640], sizes = [4096, 128], strides = [1, 1]} : vector<4096x4096xf32> to vector<4096x128xf32>
      %lt3A_84 = arith.cmpf olt, %slice3A_83, %min3A_82 : vector<4096x128xf32>
      %jit3A_85 = arith.constant 5.000000e+00 : f32
      %broadcast_in_dim3A_86 = vector.broadcast %jit3A_85 : f32 to vector<4096x128xf32>
      %select_n3A_87 = arith.select %lt3A_84, %broadcast_in_dim3A_86, %select_n3A_81 : vector<4096x128xi1>, vector<4096x128xf32>
      %min3A_88 = arith.minimumf %min3A_82, %slice3A_83 : vector<4096x128xf32>
      %slice3A_89 = vector.extract_strided_slice %sub3A {offsets = [0, 768], sizes = [4096, 128], strides = [1, 1]} : vector<4096x4096xf32> to vector<4096x128xf32>
      %lt3A_90 = arith.cmpf olt, %slice3A_89, %min3A_88 : vector<4096x128xf32>
      %jit3A_91 = arith.constant 6.000000e+00 : f32
      %broadcast_in_dim3A_92 = vector.broadcast %jit3A_91 : f32 to vector<4096x128xf32>
      %select_n3A_93 = arith.select %lt3A_90, %broadcast_in_dim3A_92, %select_n3A_87 : vector<4096x128xi1>, vector<4096x128xf32>
      %min3A_94 = arith.minimumf %min3A_88, %slice3A_89 : vector<4096x128xf32>
      %slice3A_95 = vector.extract_strided_slice %sub3A {offsets = [0, 896], sizes = [4096, 128], strides = [1, 1]} : vector<4096x4096xf32> to vector<4096x128xf32>
      %lt3A_96 = arith.cmpf olt, %slice3A_95, %min3A_94 : vector<4096x128xf32>
      %jit3A_97 = arith.constant 7.000000e+00 : f32
      %broadcast_in_dim3A_98 = vector.broadcast %jit3A_97 : f32 to vector<4096x128xf32>
      %select_n3A_99 = arith.select %lt3A_96, %broadcast_in_dim3A_98, %select_n3A_93 : vector<4096x128xi1>, vector<4096x128xf32>
      %min3A_100 = arith.minimumf %min3A_94, %slice3A_95 : vector<4096x128xf32>
      %slice3A_101 = vector.extract_strided_slice %sub3A {offsets = [0, 1024], sizes = [4096, 128], strides = [1, 1]} : vector<4096x4096xf32> to vector<4096x128xf32>
      %lt3A_102 = arith.cmpf olt, %slice3A_101, %min3A_100 : vector<4096x128xf32>
      %jit3A_103 = arith.constant 8.000000e+00 : f32
      %broadcast_in_dim3A_104 = vector.broadcast %jit3A_103 : f32 to vector<4096x128xf32>
      %select_n3A_105 = arith.select %lt3A_102, %broadcast_in_dim3A_104, %select_n3A_99 : vector<4096x128xi1>, vector<4096x128xf32>
      %min3A_106 = arith.minimumf %min3A_100, %slice3A_101 : vector<4096x128xf32>
      %slice3A_107 = vector.extract_strided_slice %sub3A {offsets = [0, 1152], sizes = [4096, 128], strides = [1, 1]} : vector<4096x4096xf32> to vector<4096x128xf32>
      %lt3A_108 = arith.cmpf olt, %slice3A_107, %min3A_106 : vector<4096x128xf32>
      %jit3A_109 = arith.constant 9.000000e+00 : f32
      %broadcast_in_dim3A_110 = vector.broadcast %jit3A_109 : f32 to vector<4096x128xf32>
      %select_n3A_111 = arith.select %lt3A_108, %broadcast_in_dim3A_110, %select_n3A_105 : vector<4096x128xi1>, vector<4096x128xf32>
      %min3A_112 = arith.minimumf %min3A_106, %slice3A_107 : vector<4096x128xf32>
      %slice3A_113 = vector.extract_strided_slice %sub3A {offsets = [0, 1280], sizes = [4096, 128], strides = [1, 1]} : vector<4096x4096xf32> to vector<4096x128xf32>
      %lt3A_114 = arith.cmpf olt, %slice3A_113, %min3A_112 : vector<4096x128xf32>
      %jit3A_115 = arith.constant 1.000000e+01 : f32
      %broadcast_in_dim3A_116 = vector.broadcast %jit3A_115 : f32 to vector<4096x128xf32>
      %select_n3A_117 = arith.select %lt3A_114, %broadcast_in_dim3A_116, %select_n3A_111 : vector<4096x128xi1>, vector<4096x128xf32>
      %min3A_118 = arith.minimumf %min3A_112, %slice3A_113 : vector<4096x128xf32>
      %slice3A_119 = vector.extract_strided_slice %sub3A {offsets = [0, 1408], sizes = [4096, 128], strides = [1, 1]} : vector<4096x4096xf32> to vector<4096x128xf32>
      %lt3A_120 = arith.cmpf olt, %slice3A_119, %min3A_118 : vector<4096x128xf32>
      %jit3A_121 = arith.constant 1.100000e+01 : f32
      %broadcast_in_dim3A_122 = vector.broadcast %jit3A_121 : f32 to vector<4096x128xf32>
      %select_n3A_123 = arith.select %lt3A_120, %broadcast_in_dim3A_122, %select_n3A_117 : vector<4096x128xi1>, vector<4096x128xf32>
      %min3A_124 = arith.minimumf %min3A_118, %slice3A_119 : vector<4096x128xf32>
      %slice3A_125 = vector.extract_strided_slice %sub3A {offsets = [0, 1536], sizes = [4096, 128], strides = [1, 1]} : vector<4096x4096xf32> to vector<4096x128xf32>
      %lt3A_126 = arith.cmpf olt, %slice3A_125, %min3A_124 : vector<4096x128xf32>
      %jit3A_127 = arith.constant 1.200000e+01 : f32
      %broadcast_in_dim3A_128 = vector.broadcast %jit3A_127 : f32 to vector<4096x128xf32>
      %select_n3A_129 = arith.select %lt3A_126, %broadcast_in_dim3A_128, %select_n3A_123 : vector<4096x128xi1>, vector<4096x128xf32>
      %min3A_130 = arith.minimumf %min3A_124, %slice3A_125 : vector<4096x128xf32>
      %slice3A_131 = vector.extract_strided_slice %sub3A {offsets = [0, 1664], sizes = [4096, 128], strides = [1, 1]} : vector<4096x4096xf32> to vector<4096x128xf32>
      %lt3A_132 = arith.cmpf olt, %slice3A_131, %min3A_130 : vector<4096x128xf32>
      %jit3A_133 = arith.constant 1.300000e+01 : f32
      %broadcast_in_dim3A_134 = vector.broadcast %jit3A_133 : f32 to vector<4096x128xf32>
      %select_n3A_135 = arith.select %lt3A_132, %broadcast_in_dim3A_134, %select_n3A_129 : vector<4096x128xi1>, vector<4096x128xf32>
      %min3A_136 = arith.minimumf %min3A_130, %slice3A_131 : vector<4096x128xf32>
      %slice3A_137 = vector.extract_strided_slice %sub3A {offsets = [0, 1792], sizes = [4096, 128], strides = [1, 1]} : vector<4096x4096xf32> to vector<4096x128xf32>
      %lt3A_138 = arith.cmpf olt, %slice3A_137, %min3A_136 : vector<4096x128xf32>
      %jit3A_139 = arith.constant 1.400000e+01 : f32
      %broadcast_in_dim3A_140 = vector.broadcast %jit3A_139 : f32 to vector<4096x128xf32>
      %select_n3A_141 = arith.select %lt3A_138, %broadcast_in_dim3A_140, %select_n3A_135 : vector<4096x128xi1>, vector<4096x128xf32>
      %min3A_142 = arith.minimumf %min3A_136, %slice3A_137 : vector<4096x128xf32>
      %slice3A_143 = vector.extract_strided_slice %sub3A {offsets = [0, 1920], sizes = [4096, 128], strides = [1, 1]} : vector<4096x4096xf32> to vector<4096x128xf32>
      %lt3A_144 = arith.cmpf olt, %slice3A_143, %min3A_142 : vector<4096x128xf32>
      %jit3A_145 = arith.constant 1.500000e+01 : f32
      %broadcast_in_dim3A_146 = vector.broadcast %jit3A_145 : f32 to vector<4096x128xf32>
      %select_n3A_147 = arith.select %lt3A_144, %broadcast_in_dim3A_146, %select_n3A_141 : vector<4096x128xi1>, vector<4096x128xf32>
      %min3A_148 = arith.minimumf %min3A_142, %slice3A_143 : vector<4096x128xf32>
      %slice3A_149 = vector.extract_strided_slice %sub3A {offsets = [0, 2048], sizes = [4096, 128], strides = [1, 1]} : vector<4096x4096xf32> to vector<4096x128xf32>
      %lt3A_150 = arith.cmpf olt, %slice3A_149, %min3A_148 : vector<4096x128xf32>
      %jit3A_151 = arith.constant 1.600000e+01 : f32
      %broadcast_in_dim3A_152 = vector.broadcast %jit3A_151 : f32 to vector<4096x128xf32>
      %select_n3A_153 = arith.select %lt3A_150, %broadcast_in_dim3A_152, %select_n3A_147 : vector<4096x128xi1>, vector<4096x128xf32>
      %min3A_154 = arith.minimumf %min3A_148, %slice3A_149 : vector<4096x128xf32>
      %slice3A_155 = vector.extract_strided_slice %sub3A {offsets = [0, 2176], sizes = [4096, 128], strides = [1, 1]} : vector<4096x4096xf32> to vector<4096x128xf32>
      %lt3A_156 = arith.cmpf olt, %slice3A_155, %min3A_154 : vector<4096x128xf32>
      %jit3A_157 = arith.constant 1.700000e+01 : f32
      %broadcast_in_dim3A_158 = vector.broadcast %jit3A_157 : f32 to vector<4096x128xf32>
      %select_n3A_159 = arith.select %lt3A_156, %broadcast_in_dim3A_158, %select_n3A_153 : vector<4096x128xi1>, vector<4096x128xf32>
      %min3A_160 = arith.minimumf %min3A_154, %slice3A_155 : vector<4096x128xf32>
      %slice3A_161 = vector.extract_strided_slice %sub3A {offsets = [0, 2304], sizes = [4096, 128], strides = [1, 1]} : vector<4096x4096xf32> to vector<4096x128xf32>
      %lt3A_162 = arith.cmpf olt, %slice3A_161, %min3A_160 : vector<4096x128xf32>
      %jit3A_163 = arith.constant 1.800000e+01 : f32
      %broadcast_in_dim3A_164 = vector.broadcast %jit3A_163 : f32 to vector<4096x128xf32>
      %select_n3A_165 = arith.select %lt3A_162, %broadcast_in_dim3A_164, %select_n3A_159 : vector<4096x128xi1>, vector<4096x128xf32>
      %min3A_166 = arith.minimumf %min3A_160, %slice3A_161 : vector<4096x128xf32>
      %slice3A_167 = vector.extract_strided_slice %sub3A {offsets = [0, 2432], sizes = [4096, 128], strides = [1, 1]} : vector<4096x4096xf32> to vector<4096x128xf32>
      %lt3A_168 = arith.cmpf olt, %slice3A_167, %min3A_166 : vector<4096x128xf32>
      %jit3A_169 = arith.constant 1.900000e+01 : f32
      %broadcast_in_dim3A_170 = vector.broadcast %jit3A_169 : f32 to vector<4096x128xf32>
      %select_n3A_171 = arith.select %lt3A_168, %broadcast_in_dim3A_170, %select_n3A_165 : vector<4096x128xi1>, vector<4096x128xf32>
      %min3A_172 = arith.minimumf %min3A_166, %slice3A_167 : vector<4096x128xf32>
      %slice3A_173 = vector.extract_strided_slice %sub3A {offsets = [0, 2560], sizes = [4096, 128], strides = [1, 1]} : vector<4096x4096xf32> to vector<4096x128xf32>
      %lt3A_174 = arith.cmpf olt, %slice3A_173, %min3A_172 : vector<4096x128xf32>
      %jit3A_175 = arith.constant 2.000000e+01 : f32
      %broadcast_in_dim3A_176 = vector.broadcast %jit3A_175 : f32 to vector<4096x128xf32>
      %select_n3A_177 = arith.select %lt3A_174, %broadcast_in_dim3A_176, %select_n3A_171 : vector<4096x128xi1>, vector<4096x128xf32>
      %min3A_178 = arith.minimumf %min3A_172, %slice3A_173 : vector<4096x128xf32>
      %slice3A_179 = vector.extract_strided_slice %sub3A {offsets = [0, 2688], sizes = [4096, 128], strides = [1, 1]} : vector<4096x4096xf32> to vector<4096x128xf32>
      %lt3A_180 = arith.cmpf olt, %slice3A_179, %min3A_178 : vector<4096x128xf32>
      %jit3A_181 = arith.constant 2.100000e+01 : f32
      %broadcast_in_dim3A_182 = vector.broadcast %jit3A_181 : f32 to vector<4096x128xf32>
      %select_n3A_183 = arith.select %lt3A_180, %broadcast_in_dim3A_182, %select_n3A_177 : vector<4096x128xi1>, vector<4096x128xf32>
      %min3A_184 = arith.minimumf %min3A_178, %slice3A_179 : vector<4096x128xf32>
      %slice3A_185 = vector.extract_strided_slice %sub3A {offsets = [0, 2816], sizes = [4096, 128], strides = [1, 1]} : vector<4096x4096xf32> to vector<4096x128xf32>
      %lt3A_186 = arith.cmpf olt, %slice3A_185, %min3A_184 : vector<4096x128xf32>
      %jit3A_187 = arith.constant 2.200000e+01 : f32
      %broadcast_in_dim3A_188 = vector.broadcast %jit3A_187 : f32 to vector<4096x128xf32>
      %select_n3A_189 = arith.select %lt3A_186, %broadcast_in_dim3A_188, %select_n3A_183 : vector<4096x128xi1>, vector<4096x128xf32>
      %min3A_190 = arith.minimumf %min3A_184, %slice3A_185 : vector<4096x128xf32>
      %slice3A_191 = vector.extract_strided_slice %sub3A {offsets = [0, 2944], sizes = [4096, 128], strides = [1, 1]} : vector<4096x4096xf32> to vector<4096x128xf32>
      %lt3A_192 = arith.cmpf olt, %slice3A_191, %min3A_190 : vector<4096x128xf32>
      %jit3A_193 = arith.constant 2.300000e+01 : f32
      %broadcast_in_dim3A_194 = vector.broadcast %jit3A_193 : f32 to vector<4096x128xf32>
      %select_n3A_195 = arith.select %lt3A_192, %broadcast_in_dim3A_194, %select_n3A_189 : vector<4096x128xi1>, vector<4096x128xf32>
      %min3A_196 = arith.minimumf %min3A_190, %slice3A_191 : vector<4096x128xf32>
      %slice3A_197 = vector.extract_strided_slice %sub3A {offsets = [0, 3072], sizes = [4096, 128], strides = [1, 1]} : vector<4096x4096xf32> to vector<4096x128xf32>
      %lt3A_198 = arith.cmpf olt, %slice3A_197, %min3A_196 : vector<4096x128xf32>
      %jit3A_199 = arith.constant 2.400000e+01 : f32
      %broadcast_in_dim3A_200 = vector.broadcast %jit3A_199 : f32 to vector<4096x128xf32>
      %select_n3A_201 = arith.select %lt3A_198, %broadcast_in_dim3A_200, %select_n3A_195 : vector<4096x128xi1>, vector<4096x128xf32>
      %min3A_202 = arith.minimumf %min3A_196, %slice3A_197 : vector<4096x128xf32>
      %slice3A_203 = vector.extract_strided_slice %sub3A {offsets = [0, 3200], sizes = [4096, 128], strides = [1, 1]} : vector<4096x4096xf32> to vector<4096x128xf32>
      %lt3A_204 = arith.cmpf olt, %slice3A_203, %min3A_202 : vector<4096x128xf32>
      %jit3A_205 = arith.constant 2.500000e+01 : f32
      %broadcast_in_dim3A_206 = vector.broadcast %jit3A_205 : f32 to vector<4096x128xf32>
      %select_n3A_207 = arith.select %lt3A_204, %broadcast_in_dim3A_206, %select_n3A_201 : vector<4096x128xi1>, vector<4096x128xf32>
      %min3A_208 = arith.minimumf %min3A_202, %slice3A_203 : vector<4096x128xf32>
      %slice3A_209 = vector.extract_strided_slice %sub3A {offsets = [0, 3328], sizes = [4096, 128], strides = [1, 1]} : vector<4096x4096xf32> to vector<4096x128xf32>
      %lt3A_210 = arith.cmpf olt, %slice3A_209, %min3A_208 : vector<4096x128xf32>
      %jit3A_211 = arith.constant 2.600000e+01 : f32
      %broadcast_in_dim3A_212 = vector.broadcast %jit3A_211 : f32 to vector<4096x128xf32>
      %select_n3A_213 = arith.select %lt3A_210, %broadcast_in_dim3A_212, %select_n3A_207 : vector<4096x128xi1>, vector<4096x128xf32>
      %min3A_214 = arith.minimumf %min3A_208, %slice3A_209 : vector<4096x128xf32>
      %slice3A_215 = vector.extract_strided_slice %sub3A {offsets = [0, 3456], sizes = [4096, 128], strides = [1, 1]} : vector<4096x4096xf32> to vector<4096x128xf32>
      %lt3A_216 = arith.cmpf olt, %slice3A_215, %min3A_214 : vector<4096x128xf32>
      %jit3A_217 = arith.constant 2.700000e+01 : f32
      %broadcast_in_dim3A_218 = vector.broadcast %jit3A_217 : f32 to vector<4096x128xf32>
      %select_n3A_219 = arith.select %lt3A_216, %broadcast_in_dim3A_218, %select_n3A_213 : vector<4096x128xi1>, vector<4096x128xf32>
      %min3A_220 = arith.minimumf %min3A_214, %slice3A_215 : vector<4096x128xf32>
      %slice3A_221 = vector.extract_strided_slice %sub3A {offsets = [0, 3584], sizes = [4096, 128], strides = [1, 1]} : vector<4096x4096xf32> to vector<4096x128xf32>
      %lt3A_222 = arith.cmpf olt, %slice3A_221, %min3A_220 : vector<4096x128xf32>
      %jit3A_223 = arith.constant 2.800000e+01 : f32
      %broadcast_in_dim3A_224 = vector.broadcast %jit3A_223 : f32 to vector<4096x128xf32>
      %select_n3A_225 = arith.select %lt3A_222, %broadcast_in_dim3A_224, %select_n3A_219 : vector<4096x128xi1>, vector<4096x128xf32>
      %min3A_226 = arith.minimumf %min3A_220, %slice3A_221 : vector<4096x128xf32>
      %slice3A_227 = vector.extract_strided_slice %sub3A {offsets = [0, 3712], sizes = [4096, 128], strides = [1, 1]} : vector<4096x4096xf32> to vector<4096x128xf32>
      %lt3A_228 = arith.cmpf olt, %slice3A_227, %min3A_226 : vector<4096x128xf32>
      %jit3A_229 = arith.constant 2.900000e+01 : f32
      %broadcast_in_dim3A_230 = vector.broadcast %jit3A_229 : f32 to vector<4096x128xf32>
      %select_n3A_231 = arith.select %lt3A_228, %broadcast_in_dim3A_230, %select_n3A_225 : vector<4096x128xi1>, vector<4096x128xf32>
      %min3A_232 = arith.minimumf %min3A_226, %slice3A_227 : vector<4096x128xf32>
      %slice3A_233 = vector.extract_strided_slice %sub3A {offsets = [0, 3840], sizes = [4096, 128], strides = [1, 1]} : vector<4096x4096xf32> to vector<4096x128xf32>
      %lt3A_234 = arith.cmpf olt, %slice3A_233, %min3A_232 : vector<4096x128xf32>
      %jit3A_235 = arith.constant 3.000000e+01 : f32
      %broadcast_in_dim3A_236 = vector.broadcast %jit3A_235 : f32 to vector<4096x128xf32>
      %select_n3A_237 = arith.select %lt3A_234, %broadcast_in_dim3A_236, %select_n3A_231 : vector<4096x128xi1>, vector<4096x128xf32>
      %min3A_238 = arith.minimumf %min3A_232, %slice3A_233 : vector<4096x128xf32>
      %slice3A_239 = vector.extract_strided_slice %sub3A {offsets = [0, 3968], sizes = [4096, 128], strides = [1, 1]} : vector<4096x4096xf32> to vector<4096x128xf32>
      %lt3A_240 = arith.cmpf olt, %slice3A_239, %min3A_238 : vector<4096x128xf32>
      %jit3A_241 = arith.constant 3.100000e+01 : f32
      %broadcast_in_dim3A_242 = vector.broadcast %jit3A_241 : f32 to vector<4096x128xf32>
      %select_n3A_243 = arith.select %lt3A_240, %broadcast_in_dim3A_242, %select_n3A_237 : vector<4096x128xi1>, vector<4096x128xf32>
      %min3A_244 = arith.minimumf %min3A_238, %slice3A_239 : vector<4096x128xf32>
      %reduce_min3A = arith.constant dense<0x7F800000> : vector<4096xf32>
      %reduce_min3A_245 = vector.multi_reduction <minimumf>, %min3A_244, %reduce_min3A [1] : vector<4096x128xf32> to vector<4096xf32>
      %mul3A_246 = arith.constant 1.280000e+02 : f32
      %mul3A_247 = vector.broadcast %mul3A_246 : f32 to vector<4096x128xf32>
      %mul3A_248 = arith.mulf %select_n3A_243, %mul3A_247 : vector<4096x128xf32>
      %add3A_249 = arith.addf %mul3A_248, %convert_element_type3A_7 : vector<4096x128xf32>
      %broadcast_in_dim3A_250 = vector.shape_cast %reduce_min3A_245 : vector<4096xf32> to vector<4096x1xf32>
      %eq3A_251 = vector.broadcast %broadcast_in_dim3A_250 : vector<4096x1xf32> to vector<4096x128xf32>
      %eq3A_252 = arith.cmpf oeq, %min3A_244, %eq3A_251 : vector<4096x128xf32>
      %jit3A_253 = arith.constant 1.638400e+04 : f32
      %broadcast_in_dim3A_254 = vector.broadcast %jit3A_253 : f32 to vector<4096x128xf32>
      %select_n3A_255 = arith.select %eq3A_252, %add3A_249, %broadcast_in_dim3A_254 : vector<4096x128xi1>, vector<4096x128xf32>
      %reduce_min3A_256 = arith.constant dense<0x7F800000> : vector<4096xf32>
      %reduce_min3A_257 = vector.multi_reduction <minimumf>, %select_n3A_255, %reduce_min3A_256 [1] : vector<4096x128xf32> to vector<4096xf32>
      %convert_element_type3A_258 = arith.fptosi %reduce_min3A_257 : vector<4096xf32> to vector<4096xi32>
      %lt3A_259 = arith.cmpf olt, %reduce_min3A_245, %scan3A_36 : vector<4096xf32>
      %mul3A_260 = arith.constant 4096 : i32
      %mul3A_261 = arith.muli %scan3A_35, %mul3A_260 : i32
      %add3A_262 = vector.broadcast %mul3A_261 : i32 to vector<4096xi32>
      %add3A_263 = arith.addi %convert_element_type3A_258, %add3A_262 : vector<4096xi32>
      %select_n3A_264 = arith.select %lt3A_259, %add3A_263, %scan3A_37 : vector<4096xi1>, vector<4096xi32>
      %select_n3A_265 = arith.select %lt3A_259, %reduce_min3A_245, %scan3A_36 : vector<4096xi1>, vector<4096xf32>
      %convert_element_type3A_266 = arith.truncf %select_n3A_265 : vector<4096xf32> to vector<4096xbf16>
      %convert_element_type3A_267 = arith.extf %convert_element_type3A_266 : vector<4096xbf16> to vector<4096xf32>
      scf.yield %convert_element_type3A_267, %select_n3A_264 : vector<4096xf32>, vector<4096xi32>
    }
    %scan3A_15 = arith.constant 2 : i32
    %swap3A = arith.constant 0 : index
    %swap3A_16 = arith.constant 0 : index
    %swap3A_17 = arith.constant 0 : index
    %swap3A_18 = vector.load %arg5[%swap3A, %swap3A_16, %swap3A_17] : memref<1x1x4096xi32, #tpu.memory_space<vmem>>, vector<1x1x4096xi32>
    %swap3A_19 = vector.shape_cast %swap3A_18 : vector<1x1x4096xi32> to vector<4096xi32>
    %swap3A_20 = vector.shape_cast %scan3A_14#1 : vector<4096xi32> to vector<1x1x4096xi32>
    tpu.vector_store %arg5[%swap3A, %swap3A_16, %swap3A_17], %swap3A_20 {strides = array<i32>} : memref<1x1x4096xi32, #tpu.memory_space<vmem>>, vector<1x1x4096xi32>,
    %eq3A = arith.constant 0 : i32
    %eq3A_21 = arith.cmpi eq, %arg0, %eq3A : i32
    %convert_element_type3A_22 = arith.extui %eq3A_21 : i1 to i32
    %cond3A = arith.constant 0 : i32
    %cond3A_23 = arith.cmpi ne, %convert_element_type3A_22, %cond3A : i32
    scf.if %cond3A_23 {
      %broadcast_in_dim3A_35 = arith.constant 0.000000e+00 : f32
      %broadcast_in_dim3A_36 = vector.broadcast %broadcast_in_dim3A_35 : f32 to vector<1x1xf32>
      %swap3A_37 = arith.constant 0 : index
      %swap3A_38 = arith.constant 0 : index
      %swap3A_39 = vector.load %arg6[%swap3A_37, %swap3A_38] : memref<1x1xf32, #tpu.memory_space<vmem>>, vector<1x1xf32>
      tpu.vector_store %arg6[%swap3A_37, %swap3A_38], %broadcast_in_dim3A_36 {strides = array<i32>} : memref<1x1xf32, #tpu.memory_space<vmem>>, vector<1x1xf32>,
    } else {
    }
    %get3A_24 = arith.constant 0 : index
    %get3A_25 = arith.constant 0 : index
    %get3A_26 = vector.load %arg6[%get3A_24, %get3A_25] : memref<1x1xf32, #tpu.memory_space<vmem>>, vector<1x1xf32>
    %reduce_sum3A = vector.shape_cast %scan3A_14#0 : vector<4096xf32> to vector<1x4096xf32>
    %reduce_sum3A_27 = arith.constant dense<0.000000e+00> : vector<1xf32>
    %reduce_sum3A_28 = vector.multi_reduction <add>, %reduce_sum3A, %reduce_sum3A_27 [1] : vector<1x4096xf32> to vector<1xf32>
    %reduce_sum3A_29 = vector.shape_cast %reduce_sum3A_28 : vector<1xf32> to vector<1x1xf32>
    %reduce_sum3A_30 = vector.extract %reduce_sum3A_29[0, 0] : f32 from vector<1x1xf32>
    %add3A = vector.broadcast %reduce_sum3A_30 : f32 to vector<1x1xf32>
    %add3A_31 = arith.addf %get3A_26, %add3A : vector<1x1xf32>
    %swap3A_32 = arith.constant 0 : index
    %swap3A_33 = arith.constant 0 : index
    %swap3A_34 = vector.load %arg6[%swap3A_32, %swap3A_33] : memref<1x1xf32, #tpu.memory_space<vmem>>, vector<1x1xf32>
    tpu.vector_store %arg6[%swap3A_32, %swap3A_33], %add3A_31 {strides = array<i32>} : memref<1x1xf32, #tpu.memory_space<vmem>>, vector<1x1xf32>,
    return
  }
  func.func @transform_0(%arg0: i32) -> (i32, i32) {
    %c0_i32 = arith.constant 0 : i32
    %c0_i32_0 = arith.constant 0 : i32
    return %arg0, %c0_i32 : i32, i32
  }
  func.func @transform_1(%arg0: i32) -> (i32, i32, i32) {
    %c0_i32 = arith.constant 0 : i32
    %c0_i32_0 = arith.constant 0 : i32
    %c0_i32_1 = arith.constant 0 : i32
    return %arg0, %c0_i32, %c0_i32_0 : i32, i32, i32
  }
  func.func @transform_2(%arg0: i32) -> (i32, i32) {
    %c0_i32 = arith.constant 0 : i32
    %c0_i32_0 = arith.constant 0 : i32
    %c0_i32_1 = arith.constant 0 : i32
    return %c0_i32, %c0_i32_0 : i32, i32
  }
  func.func @transform_3(%arg0: i32) -> (i32, i32) {
    %c0_i32 = arith.constant 0 : i32
    %c0_i32_0 = arith.constant 0 : i32
    %c0_i32_1 = arith.constant 0 : i32
    return %c0_i32, %c0_i32_0 : i32, i32
  }
  func.func @transform_4(%arg0: i32) -> (i32, i32, i32) {
    %c0_i32 = arith.constant 0 : i32
    %c0_i32_0 = arith.constant 0 : i32
    %c0_i32_1 = arith.constant 0 : i32
    return %arg0, %c0_i32, %c0_i32_0 : i32, i32, i32
  }
  func.func @transform_5(%arg0: i32) -> (i32, i32) {
    %c0_i32 = arith.constant 0 : i32
    %c0_i32_0 = arith.constant 0 : i32
    %c0_i32_1 = arith.constant 0 : i32
    return %c0_i32, %c0_i32_0 : i32, i32
  }
}

</mosaic_0001>

<sc_bundles>
// kernel: kernel.4.cloned.1.call-start
scs
__scs_entry_jumppad:
0x0: {  	(pc) =	sbr.rel $0x88, $3  }
0x1: {  	(tag) =	ssettag $0x0;
	lr =	simm.s32 $0x1  }
0x2: {  	[smem:$0x3F9F] =	sst lr;
	_ =	strace $0xD0000000  }
0x3: {  	_ = 	snop  }
0x4: {  	_ = 	snop  }
0x5: {  	_ = 	snop  }
0x6: {  	_ = 	snop  }
0x7: {  	_ = 	snop  }
__scs_overlays_trampoline_lowered:
0x8: {  	[smem:$0x3FAE] =	sst s0  }
0x9: {  	[smem:$0x3FAF] =	sst s1  }
0xa: {  	[smem:$0x3FB0] =	sst s2  }
0xb: {  	[smem:$0x3FB1] =	sst s3  }
0xc: {  	[smem:$0x3FB2] =	sst s4  }
0xd: {  	[smem:$0x3FB3] =	sst s5  }
0xe: {  	[smem:$0x3FB4] =	sst s6  }
0xf: {  	[smem:$0x3FB5] =	sst s7  }
0x10: {  	[smem:$0x3FB6] =	sst s8  }
0x11: {  	[smem:$0x3FB7] =	sst s9;
	s0 =	simm.s32 @!p0 $0x0  }
0x12: {  	s1 =	sld [smem:$0x3F9D];
	s0 =	simm.s32 @p0 $0x1  }
0x13: {  	[smem:$0x3FB8] =	sst s0;
	s0 =	simm.s32 @!p1 $0x0  }
0x14: {  	s2 =	sld [smem:$0x3F9C];
	s0 =	simm.s32 @p1 $0x1  }
0x15: {  	[smem:$0x3FB9] =	sst s0;
	s0 =	simm.s32 @!p2 $0x0  }
0x16: {  	s3 =	sld [smem:$0x3FDB];
	s0 =	simm.s32 @p2 $0x1  }
0x17: {  	s4 =	simm.s32 $0x1BF5;
	[smem:$0x3FBB] =	sst s0  }
0x18: {  	s0 =	sld [smem:$0x3F9E];
	_ =	swait.ge [sflag:s4], $0x0  }
0x19: {  	s7 =	sld [smem:$0x3F9F]  }
0x1a: {  	s8 =	sadd.s32 $0xFFFFE003, lr  }
0x1b: {  	s9 =	sadd.s32 $0xFFFFFEF7, lr;
	s5 =	simm.s32 $0xFFFFFFFF;
	p2 =	slt.u32 s8, $0xFFFFF086  }
0x1c: {  	p1 =	slt.u32 s9, $0xF7A;
	s5 =	simm.s32 @!p2 $0x0  }
0x1d: {  	s5 =	simm.s32 @p1 $0x1;
	p0 =	seq.s32 s7, s2  }
0x1e: {  	s7 =	smul.u32 @!p0 $0xF7A, s2;
	p2 =	seq.s32 @!p0 s5, $0x0  }
0x1f: {  	s9 =	smul.u32 $0xF7A, s1;
	s8 =	simm.s32 @!p0 $0x1BF5;
	p2 =	por !p2, p0  }
0x20: {  	[sflag:s8] =	ssyncset.s32 @!p0 $0xFFFFF086;
	s6 =	sadd.s32 @!p0 s3, s7;
	s7 =	simm.s32 @!p0 $0x108  }
0x21: {  	s3 =	sadd.s32 s3, s9;
	s6 =	sadd.s32 @!p0 $0x88, s6;
	s7 =	simm.s32 @p2 $0x1082  }
0x22: {  	[simem:s7], [sflag:s8] =	dma.local @!p0 [hbm:s6], $0xF7A  }
0x23: {  	s9 =	sor.u32 $0xD0000000, s2;
	s6 =	simm.s32 $0x108;
	_ =	swait.ge @!p0 [sflag:s8], $0x0  }
0x24: {  	s3 =	sadd.s32 $0x88, s3;
	s6 =	simm.s32 @!p1 $0x1082;
	[sflag:s4] =	ssyncset.s32 $0xFFFFF086  }
0x25: {  	[simem:s6], [sflag:s4] =	dma.local [hbm:s3], $0xF7A  }
0x26: {  	[smem:$0x3F9F] =	sst s1;
	(tag) =	ssettag s2;
	_ =	strace s9  }
0x27: {  	s1 =	sld [smem:$0x3FAF]  }
0x28: {  	s2 =	sld [smem:$0x3FB0]  }
0x29: {  	s4 =	sld [smem:$0x3FB2]  }
0x2a: {  	p0 =	seq.s32 s5, $0x0;
	s5 =	sld [smem:$0x3FB3]  }
0x2b: {  	s6 =	sld [smem:$0x3FB4]  }
0x2c: {  	s7 =	sld [smem:$0x3FB5]  }
0x2d: {  	s3 =	simm.s32 $0x108;
	s8 =	sld [smem:$0x3FB6]  }
0x2e: {  	s3 =	simm.s32 @!p0 $0x1082;
	s9 =	sld [smem:$0x3FB7]  }
0x2f: {  	lr =	sadd.s32 s0, s3;
	s0 =	sld [smem:$0x3FAE]  }
0x30: {  	s3 =	sld [smem:$0x3FB1]  }
0x31: {  	[smem:$0x3FBA] =	sst s10  }
0x32: {  	s10 =	sld [smem:$0x3FB8];
	_ =	sdelay $0x3  }
0x33: {  	p0 =	seq.s32 s10, $0x1;
	s10 =	sld [smem:$0x3FBA];
	_ =	sdelay $0x3  }
0x34: {  	[smem:$0x3FBA] =	sst s10  }
0x35: {  	s10 =	sld [smem:$0x3FB9];
	_ =	sdelay $0x3  }
0x36: {  	p1 =	seq.s32 s10, $0x1;
	s10 =	sld [smem:$0x3FBA];
	_ =	sdelay $0x3  }
0x37: {  	[smem:$0x3FBA] =	sst s10  }
0x38: {  	s10 =	sld [smem:$0x3FBB]  }
0x39: {  	_ = 	snop;
	(pc) =	sbr.ind lr, $3  }
0x3a: {  	_ = 	snop  }
0x3b: {  	_ = 	snop  }
0x3c: {  	p2 =	seq.s32 s10, $0x1;
	s10 =	sld [smem:$0x3FBA]  }
0x3d: {  	_ =	shalt  }
0x3e: {  	_ =	shalt  }
0x3f: {  	_ =	shalt  }
0x40: {  	_ =	shalt  }
0x41: {  	_ =	shalt  }
0x42: {  	_ =	shalt  }
0x43: {  	_ =	shalt  }
0x44: {  	_ =	shalt  }
0x45: {  	_ =	shalt  }
0x46: {  	_ =	shalt  }
0x47: {  	_ =	shalt  }
0x48: {  	_ =	shalt  }
0x49: {  	_ =	shalt  }
0x4a: {  	_ =	shalt  }
0x4b: {  	_ =	shalt  }
0x4c: {  	_ =	shalt  }
0x4d: {  	_ =	shalt  }
0x4e: {  	_ =	shalt  }
0x4f: {  	_ =	shalt  }
0x50: {  	_ =	shalt  }
0x51: {  	_ =	shalt  }
0x52: {  	_ =	shalt  }
0x53: {  	_ =	shalt  }
0x54: {  	_ =	shalt  }
0x55: {  	_ =	shalt  }
0x56: {  	_ =	shalt  }
0x57: {  	_ =	shalt  }
0x58: {  	_ =	shalt  }
0x59: {  	_ =	shalt  }
0x5a: {  	_ =	shalt  }
0x5b: {  	_ =	shalt  }
0x5c: {  	_ =	shalt  }
0x5d: {  	_ =	shalt  }
0x5e: {  	_ =	shalt  }
0x5f: {  	_ =	shalt  }
0x60: {  	_ =	shalt  }
0x61: {  	_ =	shalt  }
0x62: {  	_ =	shalt  }
0x63: {  	_ =	shalt  }
0x64: {  	_ =	shalt  }
0x65: {  	_ =	shalt  }
0x66: {  	_ =	shalt  }
0x67: {  	_ =	shalt  }
0x68: {  	_ =	shalt  }
0x69: {  	_ =	shalt  }
0x6a: {  	_ =	shalt  }
0x6b: {  	_ =	shalt  }
0x6c: {  	_ =	shalt  }
0x6d: {  	_ =	shalt  }
0x6e: {  	_ =	shalt  }
0x6f: {  	_ =	shalt  }
0x70: {  	_ =	shalt  }
0x71: {  	_ =	shalt  }
0x72: {  	_ =	shalt  }
0x73: {  	_ =	shalt  }
0x74: {  	_ =	shalt  }
0x75: {  	_ =	shalt  }
0x76: {  	_ =	shalt  }
0x77: {  	_ =	shalt  }
0x78: {  	_ =	shalt  }
0x79: {  	_ =	shalt  }
0x7a: {  	_ =	shalt  }
0x7b: {  	_ =	shalt  }
0x7c: {  	_ =	shalt  }
0x7d: {  	_ =	shalt  }
0x7e: {  	_ =	shalt  }
0x7f: {  	_ =	shalt  }
0x80: {  	_ =	shalt  }
0x81: {  	_ =	shalt  }
0x82: {  	_ =	shalt  }
0x83: {  	_ =	shalt  }
0x84: {  	_ =	shalt  }
0x85: {  	_ =	shalt  }
0x86: {  	_ =	shalt  }
0x87: {  	_ =	shalt  }
.Lfunc_end0:
.L_simem_size_0:
called_computation_lowered:
.L_overlay_start_0:
0x88: {  	s2 =	sld [smem:$0x3FD9]  }
0x89: {  	s3 =	sld [smem:$0x3FFE];
	_ =	sdelay $0x1  }
0x8a: {  	s1 =	srdreg.scid  }
0x8b: {  	s0 =	sand.u32 $0x1, s1  }
0x8c: {  	s14 =	sshll.u32 s0, $0xA;
	s2 =	sadd.s32 s3, s2  }
0x8d: {  	s2 =	sadd.s32 s2, s14  }
0x8e: {  	[smem:$0x3FC6] =	sst s2  }
0x8f: {  	_ = 	snop  }
0x90: {  	s2 =	sld [smem:$0x3FD0];
	_ =	sdelay $0x2  }
0x91: {  	s15 =	simm.s32 $0xA;
	s4 =	simm.s32 $0x10  }
0x92: {  	[smem:s4], [sflag:s15] =	dma.local [hbm:s2], $0x1  }
0x93: {  	_ =	swait.eq [sflag:s15], $0x1  }
0x94: {  	[sflag:s15] =	ssyncset.done $0x0  }
0x95: {  	[sflag:s15] =	ssyncadd.s32 $0xFFFFFFFF  }
0x96: {  	s16 =	sld [smem:$0x10];
	(tm) =	ssettm $0x1  }
0x97: {  	s17 =	sld [smem:$0x3FFB];
	_ =	sdelay $0x3  }
0x98: {  	_ =	strace s17  }
0x99: {  	s3 =	sld [smem:$0x3FFC];
	_ =	sdelay $0x3  }
0x9a: {  	_ =	strace s3  }
0x9b: {  	s3 =	sld [smem:$0x3FFD];
	_ =	sdelay $0x3  }
0x9c: {  	_ =	strace s3  }
0x9d: {  	_ =	strace $0x8FFFFFFF  }
0x9e: {  	s18 =	sld [smem:$0x3FDB];
	_ =	sdelay $0x1  }
0x9f: {  	s19 =	simm.s32 $_scs_section_size  }
0xa0: {  	s5 =	simm.s32 $_size__tile_overlayer_lowered;
	s6 =	simm.s32 $_tile_overlayer_lowered  }
0xa1: {  	s22 =	simm.s32 $0x1BFF;
	s21 =	sshll.u32 s6, $0x1;
	s3 =	sadd.s32 s19, s18  }
0xa2: {  	s7 =	simm.s32 $0x0;
	s20 =	sshll.u32 s5, $0x1;
	s5 =	sadd.s32 s21, s3  }
0xa3: {  	[timem:s7], [sflag:s22] =	dma.local [hbm:s5], s20  }
0xa4: {  	_ =	swait.ge [sflag:s22], s20  }
0xa5: {  	s4 =	ssub.s32 $0x0, s20;
	[sflag:s22] =	ssyncset.done $0x0  }
0xa6: {  	[sflag:s22] =	ssyncadd.s32 s4;
	_ =	sdelay $0x1  }
0xa7: {  	s23 =	simm.s32 $0x1B8B  }
0xa8: {  	_ =	swait.ge [sflag:s23], $0x1  }
0xa9: {  	[sflag:s23] =	ssyncset.done $0x0  }
0xaa: {  	s25 =	simm.s32 $0x1B8E;
	s24 =	sld [smem:$0x3FFE];
	[sflag:s23] =	ssyncadd.s32 $0xFFFFFFFF  }
0xab: {  	s26 =	simm.s32 $execute0_lowered;
	[smem:$0x3FD2] =	sst s25  }
0xac: {  	s5 =	sshll.u32 s26, $0x1;
	_ =	strace $0x80000046;
	[dreg:$0x1] =	wrdreg $0xFFFFFFFF  }
0xad: {  	s28 =	simm.s32 $_size_execute0_lowered;
	s3 =	sadd.s32 s3, s5;
	[dreg:$0x0] =	wrdreg $0x0  }
0xae: {  	s5 =	sshll.u32 s28, $0x1;
	[dreg:$0x2] =	wrdreg s3  }
0xaf: {  	[dreg:$0x3] =	wrdreg s5  }
0xb0: {  	[dreg:$0x4] =	wrdreg $0xC0  }
0xb1: {  	_ =	task [dreg:s7], $0x5FFFF  }
0xb2: {  	[dreg:$0x1] =	wrdreg $0xFFFFFFFF  }
0xb3: {  	[dreg:$0x0] =	wrdreg $0x60  }
0xb4: {  	[dreg:$0x2] =	wrdreg s24  }
0xb5: {  	[dreg:$0x3] =	wrdreg s16  }
0xb6: {  	[dreg:$0x4] =	wrdreg $0x9  }
0xb7: {  	_ =	task.clear_ibuf [dreg:s7], $0x5FFFF;
	_ =	strace $0x90000046  }
0xb8: {  	s29 =	simm.s32 $0x9;
	_ =	strace $0x80000048  }
0xb9: {  	_ =	swait.ge [sflag:s29], $0x1  }
0xba: {  	[sflag:s29] =	ssyncadd.s32 $0xFFFFFFFF  }
0xbb: {  	_ =	strace $0x90000048  }
0xbc: {  	_ =	sfence  }
0xbd: {  	s30 =	sld [smem:$0x0];
	_ =	sdelay $0x2  }
0xbe: {  	s31 =	sshll.u32 s1, $0xD;
	s1 =	sshrl.u32 s1, $0x2  }
0xbf: {  	s3 =	sand.u32 $0x4000, s31;
	s1 =	sadd.s32 s1, s30  }
0xc0: {  	s0 =	sor.u32 s3, s0;
	s1 =	sshll.u32 s1, $0x11  }
0xc1: {  	s0 =	sor.u32 s1, s0  }
0xc2: {  	s0 =	sadd.s32 $0x8F2B, s0  }
0xc3: {  	[sflag:s0] =	ssyncadd.remote.s32 $0x1  }
0xc4: {  	_ =	sfence.sel $0xFFFF  }
0xc5: {  	[dreg:$0x0] =	wrdreg $0xFFFFFFFF;
	(pc) =	sbr.abs _section_cstart, $3  }
0xc6: {  	[dreg:$0x1] =	wrdreg $0xFFFFFFFF  }
0xc7: {  	_ =	task.clear_ibuf [dreg:s7], $0x2FFFF;
	_ =	strace $0x9FFFFFFF  }
0xc8: {  	(tm) =	ssettm $0x7FFFFFFF  }
0xc9: {  	_ =	shalt  }
tec
execute0_lowered:
.L_overlay_start_1:
0x0: {  	(tag) =	ssettag $0x1  }
0x1: {  	s1 =	srdreg.scid  }
0x2: {  	s0 =	stileid.u32;
	s12 =	sand.u32 $0x1, s1  }
0x3: {  	s5 =	rddreg [dreg:$0x0];
	s30 =	sshll.u32 s0, $0xA;
	s2 =	sshll.u32 s12, $0x9  }
0x4: {  	s14 =	rddreg [dreg:$0x1];
	s15 =	sor.u32 s2, s30  }
0x5: {  	s1 =	rddreg [dreg:$0x2];
	s2 =	simm.s32 $0x0;
	s3 =	sshrl.u32 s15, $0x3  }
0x6: {  	[smem:$0x7FF] =	sst s2;
	s3 =	sadd.s32 s3, s5  }
0x7: {  	_ =	strace $0x80000047;
	s4 =	sadd.s32 $0x8400, s3;
	s3 =	simm.s32 $0x2  }
0x8: {  	[tilespmem:s2], [sflag:$0x2] =	stream.linear.gather [hbm4b:s4+s2], $0x200, $0x38;
	[tilespmem:$0x4200] =	vst v63  }
0x9: {  	_ =	swait.ge [sflag:s3], $0x200  }
0xa: {  	s6 =	simm.s32 $0x80;
	s7 =	simm.s32 $0x200;
	[sflag:s3] =	ssyncset.done $0x0  }
0xb: {  	s8 =	simm.s32 $0x1;
	s5 =	sadd.s32 $0x400, s5;
	[sflag:s3] =	ssyncadd.s32 $0xFFFFFE00  }
0xc: {  	[tilespmem:s7], [sflag:$0x1] =	stream.indirect.gather [hbm4b:s5+s6], $0x20, s2, s6, $0xb8;
	[tilespmem:$0x4200] =	vst v63  }
0xd: {  	_ =	swait.ge [sflag:s8], $0x1000  }
0xe: {  	[sflag:s8] =	ssyncset.done $0x0  }
0xf: {  	s9 =	simm.s32 $0x1200;
	[sflag:s8] =	ssyncadd.s32 $0xFFFFF000  }
0x10: {  	[tilespmem:s9], [sflag:$0x1] =	stream.indirect.gather [hbm4b:s5+s6], $0x20, s6, s6, $0xb8;
	[tilespmem:$0x4200] =	vst v63  }
0x11: {  	_ =	swait.ge [sflag:s8], $0x1000  }
0x12: {  	s10 =	simm.s32 $0x100;
	[sflag:s8] =	ssyncset.done $0x0  }
0x13: {  	s11 =	simm.s32 $0x2200;
	s16 =	ssub.s32 $0x2, s12;
	[sflag:s8] =	ssyncadd.s32 $0xFFFFF000  }
0x14: {  	[tilespmem:s11], [sflag:$0x1] =	stream.indirect.gather [hbm4b:s5+s6], $0x20, s10, s6, $0xb8;
	[tilespmem:$0x4200] =	vst v63  }
0x15: {  	s17 =	sshrl.u32 s16, $0x1;
	_ =	swait.ge [sflag:s8], $0x1000  }
0x16: {  	s13 =	simm.s32 $0x3200;
	s16 =	ssub.s32 s16, s17;
	[sflag:s8] =	ssyncset.done $0x0  }
0x17: {  	s12 =	simm.s32 $0x180;
	s31 =	smax.u32 s16, $0x1;
	[sflag:s8] =	ssyncadd.s32 $0xFFFFF000  }
0x18: {  	[tilespmem:s13], [sflag:$0x1] =	stream.indirect.gather [hbm4b:s5+s6], $0x20, s12, s6, $0xb8;
	[tilespmem:$0x4200] =	vst v63  }
0x19: {  	p0 =	sne.s32 s31, $0x1;
	_ =	swait.ge [sflag:s8], $0x1000  }
.Ltmp0:
0x1a: {  	s15 =	sshll.u32 s15, $0x2;
	[sflag:s8] =	ssyncset.done $0x0;
	(pc) =	sbr.rel @!p0 .LBB2_2-.Ltmp0, $4  }
0x1b: {  	s14 =	sadd.s32 s14, s15;
	[sflag:s8] =	ssyncadd.s32 $0xFFFFF000  }
0x1c: {  	[hbm4b:s14+s2] =	stream.linear.scatter [tilespmem:s7], [sflag:$0x2], $0x4000, $0x38;
	[tilespmem:$0x4200] =	vst v63  }
0x1d: {  	_ =	swait.ge [sflag:s3], $0x4000  }
0x1e: {  	s15 =	sadd.s32 $0xFFFFFFFF, s31;
	[sflag:s3] =	ssyncset.done $0x0  }
.LBB2_1:
0x1f: {  	p0 =	sne.s32 s15, $0x1;
	s15 =	sadd.s32 $0xFFFFFFFF, s15;
	[sflag:s3] =	ssyncadd.s32 $0xFFFFC000  }
0x20: {  	[tilespmem:s2], [sflag:$0x2] =	stream.linear.gather [hbm4b:s4+s2], $0x200, $0x38;
	[tilespmem:$0x4200] =	vst v63  }
0x21: {  	_ =	swait.ge [sflag:s3], $0x200  }
0x22: {  	[sflag:s3] =	ssyncset.done $0x0  }
0x23: {  	[sflag:s3] =	ssyncadd.s32 $0xFFFFFE00  }
0x24: {  	[tilespmem:s7], [sflag:$0x1] =	stream.indirect.gather [hbm4b:s5+s6], $0x20, s2, s6, $0xb8;
	[tilespmem:$0x4200] =	vst v63  }
0x25: {  	_ =	swait.ge [sflag:s8], $0x1000  }
0x26: {  	[sflag:s8] =	ssyncset.done $0x0  }
0x27: {  	[sflag:s8] =	ssyncadd.s32 $0xFFFFF000  }
0x28: {  	[tilespmem:s9], [sflag:$0x1] =	stream.indirect.gather [hbm4b:s5+s6], $0x20, s6, s6, $0xb8;
	[tilespmem:$0x4200] =	vst v63  }
0x29: {  	_ =	swait.ge [sflag:s8], $0x1000  }
0x2a: {  	[sflag:s8] =	ssyncset.done $0x0  }
0x2b: {  	[sflag:s8] =	ssyncadd.s32 $0xFFFFF000  }
0x2c: {  	[tilespmem:s11], [sflag:$0x1] =	stream.indirect.gather [hbm4b:s5+s6], $0x20, s10, s6, $0xb8;
	[tilespmem:$0x4200] =	vst v63  }
0x2d: {  	_ =	swait.ge [sflag:s8], $0x1000  }
0x2e: {  	[sflag:s8] =	ssyncset.done $0x0  }
0x2f: {  	[sflag:s8] =	ssyncadd.s32 $0xFFFFF000  }
0x30: {  	[tilespmem:s13], [sflag:$0x1] =	stream.indirect.gather [hbm4b:s5+s6], $0x20, s12, s6, $0xb8;
	[tilespmem:$0x4200] =	vst v63  }
0x31: {  	_ =	swait.ge [sflag:s8], $0x1000  }
.Ltmp1:
0x32: {  	[sflag:s8] =	ssyncset.done $0x0;
	(pc) =	sbr.rel @p0 .LBB2_1-.Ltmp1, $4  }
0x33: {  	[sflag:s8] =	ssyncadd.s32 $0xFFFFF000  }
0x34: {  	[hbm4b:s14+s2] =	stream.linear.scatter [tilespmem:s7], [sflag:$0x2], $0x4000, $0x38;
	[tilespmem:$0x4200] =	vst v63  }
0x35: {  	_ =	swait.ge [sflag:s3], $0x4000  }
0x36: {  	[sflag:s3] =	ssyncset.done $0x0  }
.LBB2_2:
0x37: {  	[sflag:s3] =	ssyncadd.s32 $0xFFFFC000  }
0x38: {  	_ =	sfence.sel $0x180000  }
0x39: {  	[bflag:$0x0] =	sbarrier.arrive $0xFFFF  }
0x3a: {  	p0 =	sne.s32 s0, $0x0;
	_ =	strace $0x90000047  }
0x3b: {  	s0 =	sadd.s32 @!p0 $0x100000, s1;
	[bflag:$0x2] =	sbarrier.arrive $0xFFFF  }
0x3c: {  	[sflag:s0] =	ssyncadd.tile.s32 @!p0 $0x1;
	_ =	shalt  }
.Lfunc_end2:
_tile_overlayer_lowered:
.L_overlay_start_2:
0x3d: {  	(tag) =	ssettag $0x2  }
0x3e: {  	s0 =	rddreg [dreg:$0x0];
	s2 =	stileid.u32  }
0x3f: {  	s1 =	rddreg [dreg:$0x1];
	p0 =	sne.s32 s2, $0x0  }
0x40: {  	s3 =	rddreg [dreg:$0x2];
	[bflag:$0x3] =	sbarrier.arrive $0xFFFF;
	s2 =	simm.s32 @!p0 $0x1C02  }
0x41: {  	[timem:s3], [sflag:s2] =	dma.local @!p0 [hbm:s0], s1  }
0x42: {  	s0 =	simm.s32 @!p0 $0x2  }
0x43: {  	_ =	swait.ge @!p0 [sflag:s0], s1  }
0x44: {  	s1 =	ssub.s32 @!p0 $0x0, s1;
	[sflag:s0] =	ssyncset.done @!p0 $0x0  }
0x45: {  	[sflag:s0] =	ssyncadd.s32 @!p0 s1  }
0x46: {  	[bflag:$0x3] =	sbarrier.arrive $0xFFFF  }
0x47: {  	_ =	shalt  }

</sc_bundles>
